<compile_context>
chip_gen: v7x
topology: tpu7x:2x2x1
jax: 0.10.2.dev20260603
libtpu: 0.0.44.dev20260713+nightly
codegen_flags: <defaults>
</compile_context>

<pallas_src>
import functools

import jax
import jax.numpy as jnp
from jax import lax
from jax.experimental import pallas as pl
from jax.experimental.pallas import tpu as pltpu
from jax.experimental.pallas import tpu_sc as plsc

BATCH = 16384
EMBED_DIM = 64
NUM_CLASSES = 2
NUM_ROWS = 1000000

_info = plsc.get_sparse_core_info()
_NC, _NS, _L = _info.num_cores, _info.num_subcores, _info.num_lanes
_NW = _NC * _NS
_BPW = BATCH // _NW
_CHUNKS = _BPW // _L

_BW = 40960
_NBLK = (NUM_ROWS + _BW - 1) // _BW

_mesh = plsc.VectorSubcoreMesh(core_axis_name="c", subcore_axis_name="s")


def _dot_block(w_ref, b_ref, tt_ref, o_ref):
    wd = w_ref[:, 0:1] - w_ref[:, 1:2]
    db = b_ref[0] - b_ref[1]
    o_ref[...] = jnp.sum(tt_ref[...] * wd, axis=0) + db


_table_dot = pl.pallas_call(
    _dot_block,
    grid=(_NBLK,),
    in_specs=[
        pl.BlockSpec((EMBED_DIM, NUM_CLASSES), lambda i: (0, 0)),
        pl.BlockSpec((NUM_CLASSES,), lambda i: (0,)),
        pl.BlockSpec((EMBED_DIM, _BW), lambda i: (0, i)),
    ],
    out_specs=pl.BlockSpec((_BW,), lambda i: (i,)),
    out_shape=jax.ShapeDtypeStruct((NUM_ROWS,), jnp.float32),
)


@functools.partial(
    pl.kernel,
    mesh=_mesh,
    compiler_params=pltpu.CompilerParams(needs_layout_passes=False,
                                         use_tc_tiling_on_sc=False),
    out_type=jax.ShapeDtypeStruct((BATCH * NUM_CLASSES,), jnp.float32),
    scratch_types=[
        pltpu.VMEM((_BPW,), jnp.int32),
        pltpu.VMEM((_BPW,), jnp.float32),
        pltpu.VMEM((_BPW * NUM_CLASSES,), jnp.float32),
        pltpu.SemaphoreType.DMA,
    ],
)
def _gather_sigmoid(idx_hbm, dbase_hbm, out_hbm, idx_v, d_v, out_v, sem):
    wid = lax.axis_index("s") * _NC + lax.axis_index("c")
    base = wid * _BPW

    pltpu.sync_copy(idx_hbm.at[pl.ds(base, _BPW)], idx_v)
    pltpu.async_copy(dbase_hbm.at[idx_v], d_v, sem).wait()

    lane = lax.iota(jnp.int32, 16)
    ones = jnp.zeros((16,), jnp.float32) + 1.0

    def chunk(k, carry):
        d = d_v[pl.ds(k * 16, 16)]
        e = jnp.exp(-d)
        p0 = ones / (ones + e)
        p1 = 1.0 - p0
        ob = (k // 8) * 256 + (k % 8) * 16 + lane
        plsc.store_scatter(out_v, [ob], p0)
        plsc.store_scatter(out_v, [ob + 128], p1)
        return carry

    lax.fori_loop(0, _CHUNKS, chunk, 0)
    pltpu.sync_copy(out_v, out_hbm.at[pl.ds(base * NUM_CLASSES,
                                            _BPW * NUM_CLASSES)])


def kernel(inputs, table, W, b):
    idx = inputs.astype(jnp.int32)
    dbase = _table_dot(W, b, table.T)
    out = _gather_sigmoid(idx, dbase)
    out3 = out.reshape(BATCH // 128, NUM_CLASSES, 128)
    return out3.transpose(0, 2, 1).reshape(BATCH, NUM_CLASSES)

# --- scband reference (transcript-rebuilt; emitter-appended) ---
"""Pipeline reference for scband-user-embedding-48936857371219 (READ-ONLY COPY).

The authoritative reference and input builder live on the scoring server;
editing this copy changes nothing except your own understanding.
"""

import jax, jax.numpy as jnp
import numpy as np

MAX_NUM_USER = 1000000
EMBED_DIM = 64
NUM_CLASSES = 2
BATCH = 16384

def setup_inputs(seed: int = 0) -> dict:
    key = jax.random.key(seed)
    k1, k2, k3, k4 = jax.random.split(key, 4)
    inputs = jax.random.randint(k1, (BATCH,), 0, MAX_NUM_USER, dtype=jnp.int64 if jax.config.jax_enable_x64 else jnp.int32)
    table = jax.random.normal(k2, (MAX_NUM_USER, EMBED_DIM), dtype=jnp.float32) * 0.02
    W = jax.random.normal(k3, (EMBED_DIM, NUM_CLASSES), dtype=jnp.float32) * (1.0 / np.sqrt(EMBED_DIM))
    b = jnp.zeros((NUM_CLASSES,), dtype=jnp.float32)
    return {"inputs": inputs, "table": table, "W": W, "b": b}

def reference(inputs, table, W, b):
    # embedding lookup (gather)
    embedded = jnp.take(table, inputs, axis=0)  # [B, D]
    # dropout is identity in eval mode
    out = embedded @ W + b  # [B, num_classes]
    return jax.nn.softmax(out, axis=1)

if __name__ == "__main__":
    import jax
    _d = setup_inputs()
    print(jax.jit(kernel)(*tuple(_d.values())))

</pallas_src>

<mosaic_0001>
#map = affine_map<(d0, d1) -> (0)>
module attributes {stable_mosaic.version = 14 : i64} {
  func.func @_gather_sigmoid(%arg0: i32, %arg1: i32, %arg2: memref<16384xi32, #tpu.memory_space<hbm>>, %arg3: memref<1000000xf32, #tpu.memory_space<hbm>>, %arg4: memref<32768xf32, #tpu.memory_space<hbm>>, %arg5: memref<512xi32, #tpu.memory_space<vmem>>, %arg6: memref<512xf32, #tpu.memory_space<vmem>>, %arg7: memref<1024xf32, #tpu.memory_space<vmem>>, %arg8: memref<!tpu.dma_semaphore, #tpu.memory_space<semaphore_mem>>) attributes {dimension_semantics = [#tpu.dimension_semantics<core_parallel>, #tpu.dimension_semantics<subcore_parallel>], iteration_bounds = array<i64: 2, 16>, scalar_prefetch = 0 : i64, scratch_operands = 4 : i64, tpu.core_type = #tpu.core_type<sc_vector_subcore>, window_params = [{transform_indices = #map}, {transform_indices = #map}, {transform_indices = #map}]} {
    %mul3A = arith.constant 2 : i32
    %mul3A_0 = arith.muli %arg1, %mul3A : i32
    %add3A = arith.addi %mul3A_0, %arg0 : i32
    %mul3A_1 = arith.constant 512 : i32
    %mul3A_2 = arith.muli %add3A, %mul3A_1 : i32
    "tpu.region"() ({
      %run_scoped3A = tpu.sem_alloc : memref<!tpu.dma_semaphore, #tpu.memory_space<semaphore_mem>>
      %dma_start3A_16 = tpu.memref_slice %arg2[%mul3A_2] : memref<16384xi32, #tpu.memory_space<hbm>> -> memref<512xi32, #tpu.memory_space<hbm>>
      %dma_start3A_17 = tpu.memref_slice %arg2[%mul3A_2] : memref<16384xi32, #tpu.memory_space<hbm>> -> memref<512xi32, #tpu.memory_space<hbm>>
      tpu.enqueue_dma source(%dma_start3A_17 : memref<512xi32, #tpu.memory_space<hbm>>) target(%arg5 : memref<512xi32, #tpu.memory_space<vmem>>) target_semaphore(%run_scoped3A : memref<!tpu.dma_semaphore, #tpu.memory_space<semaphore_mem>>)
      %dma_wait3A_18 = tpu.memref_slice %arg2[%mul3A_2] : memref<16384xi32, #tpu.memory_space<hbm>> -> memref<512xi32, #tpu.memory_space<hbm>>
      %dma_wait3A_19 = tpu.memref_slice %arg2[%mul3A_2] : memref<16384xi32, #tpu.memory_space<hbm>> -> memref<512xi32, #tpu.memory_space<hbm>>
      tpu.wait_dma2 semaphore(%run_scoped3A : memref<!tpu.dma_semaphore, #tpu.memory_space<semaphore_mem>>) src(%dma_wait3A_19 : memref<512xi32, #tpu.memory_space<hbm>>) dst(%arg5 : memref<512xi32, #tpu.memory_space<vmem>>)
      tpu.yield
    }) : () -> ()
    %dma_start3A = arith.constant 0 : i32
    %dma_start3A_3 = tpu.memref_slice %arg3[%dma_start3A] : memref<1000000xf32, #tpu.memory_space<hbm>> -> memref<1000000xf32, #tpu.memory_space<hbm>>
    tpu.enqueue_indirect_dma source(%dma_start3A_3 : memref<1000000xf32, #tpu.memory_space<hbm>>) target(%arg6 : memref<512xf32, #tpu.memory_space<vmem>>) offsets(%arg5 : memref<512xi32, #tpu.memory_space<vmem>>) semaphore(%arg8 : memref<!tpu.dma_semaphore, #tpu.memory_space<semaphore_mem>>)
    %dma_wait3A = arith.constant 0 : i32
    %dma_wait3A_4 = tpu.memref_slice %arg3[%dma_wait3A] : memref<1000000xf32, #tpu.memory_space<hbm>> -> memref<1000000xf32, #tpu.memory_space<hbm>>
    tpu.wait_indirect_dma semaphore(%arg8 : memref<!tpu.dma_semaphore, #tpu.memory_space<semaphore_mem>>) src(%dma_wait3A_4 : memref<1000000xf32, #tpu.memory_space<hbm>>) dst(%arg6 : memref<512xf32, #tpu.memory_space<vmem>>)
    %iota3A = tpu.iota {dimensions = array<i32: 0>} : vector<16xi32>
    %broadcast_in_dim3A = arith.constant 0.000000e+00 : f32
    %broadcast_in_dim3A_5 = vector.broadcast %broadcast_in_dim3A : f32 to vector<16xf32>
    %add3A_6 = arith.constant 1.000000e+00 : f32
    %add3A_7 = vector.broadcast %add3A_6 : f32 to vector<16xf32>
    %add3A_8 = arith.addf %broadcast_in_dim3A_5, %add3A_7 : vector<16xf32>
    %scan3A = arith.constant 0 : i32
    %scan3A_9 = arith.constant 0 : i32
    %scan3A_10 = arith.constant 32 : i32
    %scan3A_11 = arith.addi %scan3A_9, %scan3A_10 : i32
    %scan3A_12 = arith.constant 1 : i32
    scf.for %scan3A_16 = %scan3A_9 to %scan3A_11 step %scan3A_12  : i32 {
      %mul3A_17 = arith.constant 16 : i32
      %mul3A_18 = arith.muli %scan3A_16, %mul3A_17 : i32
      %get3A = arith.index_cast %mul3A_18 : i32 to index
      %get3A_19 = tpu.vector_load %arg6[%get3A] {strides = array<i32>} : memref<512xf32, #tpu.memory_space<vmem>>, vector<16xf32>,
      %neg3A = arith.constant 0.000000e+00 : f32
      %neg3A_20 = vector.broadcast %neg3A : f32 to vector<16xf32>
      %neg3A_21 = arith.subf %neg3A_20, %get3A_19 : vector<16xf32>
      %exp3A = math.exp %neg3A_21 : vector<16xf32>
      %add3A_22 = arith.addf %add3A_8, %exp3A : vector<16xf32>
      %div3A = arith.divf %add3A_8, %add3A_22 : vector<16xf32>
      %sub3A = arith.constant 1.000000e+00 : f32
      %sub3A_23 = vector.broadcast %sub3A : f32 to vector<16xf32>
      %sub3A_24 = arith.subf %sub3A_23, %div3A : vector<16xf32>
      %jit3A = arith.constant 8 : i32
      %div3A_25 = arith.divsi %scan3A_16, %jit3A : i32
      %sign3A = arith.constant 0 : i32
      %sign3A_26 = arith.cmpi sgt, %scan3A_16, %sign3A : i32
      %sign3A_27 = arith.extui %sign3A_26 : i1 to i32
      %sign3A_28 = arith.constant 0 : i32
      %sign3A_29 = arith.cmpi slt, %scan3A_16, %sign3A_28 : i32
      %sign3A_30 = arith.extui %sign3A_29 : i1 to i32
      %sign3A_31 = arith.subi %sign3A_27, %sign3A_30 : i32
      %sign3A_32 = arith.constant 0 : i32
      %sign3A_33 = arith.cmpi sgt, %jit3A, %sign3A_32 : i32
      %sign3A_34 = arith.extui %sign3A_33 : i1 to i32
      %sign3A_35 = arith.constant 0 : i32
      %sign3A_36 = arith.cmpi slt, %jit3A, %sign3A_35 : i32
      %sign3A_37 = arith.extui %sign3A_36 : i1 to i32
      %sign3A_38 = arith.subi %sign3A_34, %sign3A_37 : i32
      %ne3A = arith.cmpi ne, %sign3A_31, %sign3A_38 : i32
      %rem3A = arith.remsi %scan3A_16, %jit3A : i32
      %ne3A_39 = arith.constant 0 : i32
      %ne3A_40 = arith.cmpi ne, %rem3A, %ne3A_39 : i32
      %and3A = arith.andi %ne3A, %ne3A_40 : i1
      %sub3A_41 = arith.constant 1 : i32
      %sub3A_42 = arith.subi %div3A_25, %sub3A_41 : i32
      %select_n3A = arith.select %and3A, %sub3A_42, %div3A_25 : i32
      %mul3A_43 = arith.constant 256 : i32
      %mul3A_44 = arith.muli %select_n3A, %mul3A_43 : i32
      %jit3A_45 = arith.constant 8 : i32
      %eq3A = arith.constant 0 : i32
      %eq3A_46 = arith.cmpi eq, %jit3A_45, %eq3A : i32
      %jit3A_47 = arith.constant 1 : i32
      %select_n3A_48 = arith.select %eq3A_46, %jit3A_47, %jit3A_45 : i32
      %rem3A_49 = arith.remsi %scan3A_16, %select_n3A_48 : i32
      %ne3A_50 = arith.constant 0 : i32
      %ne3A_51 = arith.cmpi ne, %rem3A_49, %ne3A_50 : i32
      %lt3A = arith.constant 0 : i32
      %lt3A_52 = arith.cmpi slt, %rem3A_49, %lt3A : i32
      %lt3A_53 = arith.constant 0 : i32
      %lt3A_54 = arith.cmpi slt, %select_n3A_48, %lt3A_53 : i32
      %ne3A_55 = arith.xori %lt3A_52, %lt3A_54 : i1
      %and3A_56 = arith.andi %ne3A_55, %ne3A_51 : i1
      %add3A_57 = arith.addi %rem3A_49, %select_n3A_48 : i32
      %select_n3A_58 = arith.select %and3A_56, %add3A_57, %rem3A_49 : i32
      %mul3A_59 = arith.constant 16 : i32
      %mul3A_60 = arith.muli %select_n3A_58, %mul3A_59 : i32
      %add3A_61 = arith.addi %mul3A_44, %mul3A_60 : i32
      %add3A_62 = vector.broadcast %add3A_61 : i32 to vector<16xi32>
      %add3A_63 = arith.addi %add3A_62, %iota3A : vector<16xi32>
      tpu.vector_store_idx %arg7[%add3A_63], %div3A : memref<1024xf32, #tpu.memory_space<vmem>>[vector<16xi32>], vector<16xf32>,
      %add3A_64 = arith.constant 128 : i32
      %add3A_65 = vector.broadcast %add3A_64 : i32 to vector<16xi32>
      %add3A_66 = arith.addi %add3A_63, %add3A_65 : vector<16xi32>
      tpu.vector_store_idx %arg7[%add3A_66], %sub3A_24 : memref<1024xf32, #tpu.memory_space<vmem>>[vector<16xi32>], vector<16xf32>,
    }
    %scan3A_13 = arith.constant 32 : i32
    %mul3A_14 = arith.constant 2 : i32
    %mul3A_15 = arith.muli %mul3A_2, %mul3A_14 : i32
    "tpu.region"() ({
      %run_scoped3A = tpu.sem_alloc : memref<!tpu.dma_semaphore, #tpu.memory_space<semaphore_mem>>
      %dma_start3A_16 = tpu.memref_slice %arg4[%mul3A_15] : memref<32768xf32, #tpu.memory_space<hbm>> -> memref<1024xf32, #tpu.memory_space<hbm>>
      %dma_start3A_17 = tpu.memref_slice %arg4[%mul3A_15] : memref<32768xf32, #tpu.memory_space<hbm>> -> memref<1024xf32, #tpu.memory_space<hbm>>
      tpu.enqueue_dma source(%arg7 : memref<1024xf32, #tpu.memory_space<vmem>>) target(%dma_start3A_17 : memref<1024xf32, #tpu.memory_space<hbm>>) target_semaphore(%run_scoped3A : memref<!tpu.dma_semaphore, #tpu.memory_space<semaphore_mem>>)
      %dma_wait3A_18 = tpu.memref_slice %arg4[%mul3A_15] : memref<32768xf32, #tpu.memory_space<hbm>> -> memref<1024xf32, #tpu.memory_space<hbm>>
      %dma_wait3A_19 = tpu.memref_slice %arg4[%mul3A_15] : memref<32768xf32, #tpu.memory_space<hbm>> -> memref<1024xf32, #tpu.memory_space<hbm>>
      tpu.wait_dma2 semaphore(%run_scoped3A : memref<!tpu.dma_semaphore, #tpu.memory_space<semaphore_mem>>) src(%arg7 : memref<1024xf32, #tpu.memory_space<vmem>>) dst(%dma_wait3A_19 : memref<1024xf32, #tpu.memory_space<hbm>>)
      tpu.yield
    }) : () -> ()
    return
  }
}

module attributes {stable_mosaic.version = 14 : i64} {
  func.func @_dot_block(%arg0: i32, %arg1: memref<64x2xf32, #tpu.memory_space<vmem>>, %arg2: memref<2xf32, #tpu.memory_space<vmem>>, %arg3: memref<64x40960xf32, #tpu.memory_space<vmem>>, %arg4: memref<40960xf32, #tpu.memory_space<vmem>>) attributes {dimension_semantics = [#tpu.dimension_semantics<arbitrary>], iteration_bounds = array<i64: 25>, scalar_prefetch = 0 : i64, scratch_operands = 0 : i64, tpu.core_type = #tpu.core_type<tc>, window_params = [{pipeline_mode = #tpu.pipeline_mode<synchronous>, transform_indices = @transform_0, window_bounds = array<i64: 64, 2>}, {pipeline_mode = #tpu.pipeline_mode<synchronous>, transform_indices = @transform_1, window_bounds = array<i64: 2>}, {transform_indices = @transform_2, window_bounds = array<i64: 64, 40960>}, {transform_indices = @transform_3, window_bounds = array<i64: 40960>}]} {
    %get3A = arith.constant 0 : index
    %get3A_0 = arith.constant 0 : index
    %get3A_1 = vector.load %arg1[%get3A, %get3A_0] : memref<64x2xf32, #tpu.memory_space<vmem>>, vector<64x1xf32>
    %get3A_2 = arith.constant 0 : index
    %get3A_3 = arith.constant 1 : index
    %get3A_4 = vector.load %arg1[%get3A_2, %get3A_3] : memref<64x2xf32, #tpu.memory_space<vmem>>, vector<64x1xf32>
    %sub3A = arith.subf %get3A_1, %get3A_4 : vector<64x1xf32>
    %get3A_5 = arith.constant 0 : index
    %get3A_6 = vector.load %arg2[%get3A_5] : memref<2xf32, #tpu.memory_space<vmem>>, vector<1xf32>
    %get3A_7 = vector.extract %get3A_6[0] : f32 from vector<1xf32>
    %get3A_8 = arith.constant 1 : index
    %get3A_9 = vector.load %arg2[%get3A_8] : memref<2xf32, #tpu.memory_space<vmem>>, vector<1xf32>
    %get3A_10 = vector.extract %get3A_9[0] : f32 from vector<1xf32>
    %sub3A_11 = arith.subf %get3A_7, %get3A_10 : f32
    %get3A_12 = arith.constant 0 : index
    %get3A_13 = arith.constant 0 : index
    %get3A_14 = vector.load %arg3[%get3A_12, %get3A_13] : memref<64x40960xf32, #tpu.memory_space<vmem>>, vector<64x40960xf32>
    %mul3A = vector.broadcast %sub3A : vector<64x1xf32> to vector<64x40960xf32>
    %mul3A_15 = arith.mulf %get3A_14, %mul3A : vector<64x40960xf32>
    %reduce_sum3A = arith.constant dense<0.000000e+00> : vector<40960xf32>
    %reduce_sum3A_16 = vector.multi_reduction <add>, %mul3A_15, %reduce_sum3A [0] : vector<64x40960xf32> to vector<40960xf32>
    %add3A = vector.broadcast %sub3A_11 : f32 to vector<40960xf32>
    %add3A_17 = arith.addf %reduce_sum3A_16, %add3A : vector<40960xf32>
    %swap3A = arith.constant 0 : index
    %swap3A_18 = vector.load %arg4[%swap3A] : memref<40960xf32, #tpu.memory_space<vmem>>, vector<40960xf32>
    tpu.vector_store %arg4[%swap3A], %add3A_17 {strides = array<i32>} : memref<40960xf32, #tpu.memory_space<vmem>>, vector<40960xf32>,
    return
  }
  func.func @transform_0(%arg0: i32) -> (i32, i32) {
    %c0_i32 = arith.constant 0 : i32
    %c0_i32_0 = arith.constant 0 : i32
    %c0_i32_1 = arith.constant 0 : i32
    return %c0_i32, %c0_i32_0 : i32, i32
  }
  func.func @transform_1(%arg0: i32) -> i32 {
    %c0_i32 = arith.constant 0 : i32
    %c0_i32_0 = arith.constant 0 : i32
    return %c0_i32 : i32
  }
  func.func @transform_2(%arg0: i32) -> (i32, i32) {
    %c0_i32 = arith.constant 0 : i32
    %c0_i32_0 = arith.constant 0 : i32
    return %c0_i32, %arg0 : i32, i32
  }
  func.func @transform_3(%arg0: i32) -> i32 {
    %c0_i32 = arith.constant 0 : i32
    return %arg0 : i32
  }
}

</mosaic_0001>

<sc_bundles>
// kernel: kernel.4.cloned.1.call-start
scs
__scs_entry_jumppad:
0x0: {  	(pc) =	sbr.rel $0x88, $3  }
0x1: {  	(tag) =	ssettag $0x0;
	lr =	simm.s32 $0x1  }
0x2: {  	[smem:$0x3F9D] =	sst lr;
	_ =	strace $0xD0000000  }
0x3: {  	_ = 	snop  }
0x4: {  	_ = 	snop  }
0x5: {  	_ = 	snop  }
0x6: {  	_ = 	snop  }
0x7: {  	_ = 	snop  }
__scs_overlays_trampoline_lowered:
0x8: {  	[smem:$0x3FAC] =	sst s0  }
0x9: {  	[smem:$0x3FAD] =	sst s1  }
0xa: {  	[smem:$0x3FAE] =	sst s2  }
0xb: {  	[smem:$0x3FAF] =	sst s3  }
0xc: {  	[smem:$0x3FB0] =	sst s4  }
0xd: {  	[smem:$0x3FB1] =	sst s5  }
0xe: {  	[smem:$0x3FB2] =	sst s6  }
0xf: {  	[smem:$0x3FB3] =	sst s7  }
0x10: {  	[smem:$0x3FB4] =	sst s8  }
0x11: {  	[smem:$0x3FB5] =	sst s9;
	s0 =	simm.s32 @!p0 $0x0  }
0x12: {  	s1 =	sld [smem:$0x3F9B];
	s0 =	simm.s32 @p0 $0x1  }
0x13: {  	[smem:$0x3FB6] =	sst s0;
	s0 =	simm.s32 @!p1 $0x0  }
0x14: {  	s2 =	sld [smem:$0x3F9A];
	s0 =	simm.s32 @p1 $0x1  }
0x15: {  	[smem:$0x3FB7] =	sst s0;
	s0 =	simm.s32 @!p2 $0x0  }
0x16: {  	s3 =	sld [smem:$0x3FDB];
	s0 =	simm.s32 @p2 $0x1  }
0x17: {  	s4 =	simm.s32 $0x1BF5;
	[smem:$0x3FB9] =	sst s0  }
0x18: {  	s0 =	sld [smem:$0x3F9C];
	_ =	swait.ge [sflag:s4], $0x0  }
0x19: {  	s7 =	sld [smem:$0x3F9D]  }
0x1a: {  	s8 =	sadd.s32 $0xFFFFE003, lr  }
0x1b: {  	s9 =	sadd.s32 $0xFFFFFEF7, lr;
	s5 =	simm.s32 $0xFFFFFFFF;
	p2 =	slt.u32 s8, $0xFFFFF086  }
0x1c: {  	p1 =	slt.u32 s9, $0xF7A;
	s5 =	simm.s32 @!p2 $0x0  }
0x1d: {  	s5 =	simm.s32 @p1 $0x1;
	p0 =	seq.s32 s7, s2  }
0x1e: {  	s7 =	smul.u32 @!p0 $0xF7A, s2;
	p2 =	seq.s32 @!p0 s5, $0x0  }
0x1f: {  	s9 =	smul.u32 $0xF7A, s1;
	s8 =	simm.s32 @!p0 $0x1BF5;
	p2 =	por !p2, p0  }
0x20: {  	[sflag:s8] =	ssyncset.s32 @!p0 $0xFFFFF086;
	s6 =	sadd.s32 @!p0 s3, s7;
	s7 =	simm.s32 @!p0 $0x108  }
0x21: {  	s3 =	sadd.s32 s3, s9;
	s6 =	sadd.s32 @!p0 $0x88, s6;
	s7 =	simm.s32 @p2 $0x1082  }
0x22: {  	[simem:s7], [sflag:s8] =	dma.local @!p0 [hbm:s6], $0xF7A  }
0x23: {  	s9 =	sor.u32 $0xD0000000, s2;
	s6 =	simm.s32 $0x108;
	_ =	swait.ge @!p0 [sflag:s8], $0x0  }
0x24: {  	s3 =	sadd.s32 $0x88, s3;
	s6 =	simm.s32 @!p1 $0x1082;
	[sflag:s4] =	ssyncset.s32 $0xFFFFF086  }
0x25: {  	[simem:s6], [sflag:s4] =	dma.local [hbm:s3], $0xF7A  }
0x26: {  	[smem:$0x3F9D] =	sst s1;
	(tag) =	ssettag s2;
	_ =	strace s9  }
0x27: {  	s1 =	sld [smem:$0x3FAD]  }
0x28: {  	s2 =	sld [smem:$0x3FAE]  }
0x29: {  	s4 =	sld [smem:$0x3FB0]  }
0x2a: {  	p0 =	seq.s32 s5, $0x0;
	s5 =	sld [smem:$0x3FB1]  }
0x2b: {  	s6 =	sld [smem:$0x3FB2]  }
0x2c: {  	s7 =	sld [smem:$0x3FB3]  }
0x2d: {  	s3 =	simm.s32 $0x108;
	s8 =	sld [smem:$0x3FB4]  }
0x2e: {  	s3 =	simm.s32 @!p0 $0x1082;
	s9 =	sld [smem:$0x3FB5]  }
0x2f: {  	lr =	sadd.s32 s0, s3;
	s0 =	sld [smem:$0x3FAC]  }
0x30: {  	s3 =	sld [smem:$0x3FAF]  }
0x31: {  	[smem:$0x3FB8] =	sst s10  }
0x32: {  	s10 =	sld [smem:$0x3FB6];
	_ =	sdelay $0x3  }
0x33: {  	p0 =	seq.s32 s10, $0x1;
	s10 =	sld [smem:$0x3FB8];
	_ =	sdelay $0x3  }
0x34: {  	[smem:$0x3FB8] =	sst s10  }
0x35: {  	s10 =	sld [smem:$0x3FB7];
	_ =	sdelay $0x3  }
0x36: {  	p1 =	seq.s32 s10, $0x1;
	s10 =	sld [smem:$0x3FB8];
	_ =	sdelay $0x3  }
0x37: {  	[smem:$0x3FB8] =	sst s10  }
0x38: {  	s10 =	sld [smem:$0x3FB9]  }
0x39: {  	_ = 	snop;
	(pc) =	sbr.ind lr, $3  }
0x3a: {  	_ = 	snop  }
0x3b: {  	_ = 	snop  }
0x3c: {  	p2 =	seq.s32 s10, $0x1;
	s10 =	sld [smem:$0x3FB8]  }
0x3d: {  	_ =	shalt  }
0x3e: {  	_ =	shalt  }
0x3f: {  	_ =	shalt  }
0x40: {  	_ =	shalt  }
0x41: {  	_ =	shalt  }
0x42: {  	_ =	shalt  }
0x43: {  	_ =	shalt  }
0x44: {  	_ =	shalt  }
0x45: {  	_ =	shalt  }
0x46: {  	_ =	shalt  }
0x47: {  	_ =	shalt  }
0x48: {  	_ =	shalt  }
0x49: {  	_ =	shalt  }
0x4a: {  	_ =	shalt  }
0x4b: {  	_ =	shalt  }
0x4c: {  	_ =	shalt  }
0x4d: {  	_ =	shalt  }
0x4e: {  	_ =	shalt  }
0x4f: {  	_ =	shalt  }
0x50: {  	_ =	shalt  }
0x51: {  	_ =	shalt  }
0x52: {  	_ =	shalt  }
0x53: {  	_ =	shalt  }
0x54: {  	_ =	shalt  }
0x55: {  	_ =	shalt  }
0x56: {  	_ =	shalt  }
0x57: {  	_ =	shalt  }
0x58: {  	_ =	shalt  }
0x59: {  	_ =	shalt  }
0x5a: {  	_ =	shalt  }
0x5b: {  	_ =	shalt  }
0x5c: {  	_ =	shalt  }
0x5d: {  	_ =	shalt  }
0x5e: {  	_ =	shalt  }
0x5f: {  	_ =	shalt  }
0x60: {  	_ =	shalt  }
0x61: {  	_ =	shalt  }
0x62: {  	_ =	shalt  }
0x63: {  	_ =	shalt  }
0x64: {  	_ =	shalt  }
0x65: {  	_ =	shalt  }
0x66: {  	_ =	shalt  }
0x67: {  	_ =	shalt  }
0x68: {  	_ =	shalt  }
0x69: {  	_ =	shalt  }
0x6a: {  	_ =	shalt  }
0x6b: {  	_ =	shalt  }
0x6c: {  	_ =	shalt  }
0x6d: {  	_ =	shalt  }
0x6e: {  	_ =	shalt  }
0x6f: {  	_ =	shalt  }
0x70: {  	_ =	shalt  }
0x71: {  	_ =	shalt  }
0x72: {  	_ =	shalt  }
0x73: {  	_ =	shalt  }
0x74: {  	_ =	shalt  }
0x75: {  	_ =	shalt  }
0x76: {  	_ =	shalt  }
0x77: {  	_ =	shalt  }
0x78: {  	_ =	shalt  }
0x79: {  	_ =	shalt  }
0x7a: {  	_ =	shalt  }
0x7b: {  	_ =	shalt  }
0x7c: {  	_ =	shalt  }
0x7d: {  	_ =	shalt  }
0x7e: {  	_ =	shalt  }
0x7f: {  	_ =	shalt  }
0x80: {  	_ =	shalt  }
0x81: {  	_ =	shalt  }
0x82: {  	_ =	shalt  }
0x83: {  	_ =	shalt  }
0x84: {  	_ =	shalt  }
0x85: {  	_ =	shalt  }
0x86: {  	_ =	shalt  }
0x87: {  	_ =	shalt  }
.Lfunc_end0:
.L_simem_size_0:
called_computation_lowered:
.L_overlay_start_0:
0x88: {  	s2 =	sld [smem:$0x3FD9]  }
0x89: {  	s3 =	sld [smem:$0x3FFE];
	_ =	sdelay $0x1  }
0x8a: {  	s1 =	srdreg.scid  }
0x8b: {  	s0 =	sand.u32 $0x1, s1  }
0x8c: {  	s17 =	sshll.u32 s0, $0xA;
	s2 =	sadd.s32 s3, s2  }
0x8d: {  	s2 =	sadd.s32 s2, s17  }
0x8e: {  	[smem:$0x3FC4] =	sst s2  }
0x8f: {  	_ = 	snop  }
0x90: {  	s2 =	sld [smem:$0x3FC9]  }
0x91: {  	s18 =	sld [smem:$0x3FD0];
	(tm) =	ssettm $0x1  }
0x92: {  	s4 =	sld [smem:$0x3FFB];
	_ =	sdelay $0x3  }
0x93: {  	_ =	strace s4  }
0x94: {  	s4 =	sld [smem:$0x3FFC];
	_ =	sdelay $0x3  }
0x95: {  	_ =	strace s4  }
0x96: {  	s4 =	sld [smem:$0x3FFD];
	_ =	sdelay $0x3  }
0x97: {  	_ =	strace s4  }
0x98: {  	_ =	strace $0x8FFFFFFF  }
0x99: {  	s19 =	sld [smem:$0x3FDB];
	_ =	sdelay $0x1  }
0x9a: {  	s5 =	simm.s32 $_scs_section_size  }
0x9b: {  	s6 =	simm.s32 $_size__tile_overlayer_lowered;
	s7 =	simm.s32 $_tile_overlayer_lowered  }
0x9c: {  	s22 =	simm.s32 $0x1BFF;
	s21 =	sshll.u32 s7, $0x1;
	s4 =	sadd.s32 s5, s19  }
0x9d: {  	s8 =	simm.s32 $0x0;
	s20 =	sshll.u32 s6, $0x1;
	s6 =	sadd.s32 s21, s4  }
0x9e: {  	[timem:s8], [sflag:s22] =	dma.local [hbm:s6], s20  }
0x9f: {  	_ =	swait.ge [sflag:s22], s20  }
0xa0: {  	s5 =	ssub.s32 $0x0, s20;
	[sflag:s22] =	ssyncset.done $0x0  }
0xa1: {  	[sflag:s22] =	ssyncadd.s32 s5;
	_ =	sdelay $0x1  }
0xa2: {  	s23 =	simm.s32 $0x1B8B  }
0xa3: {  	_ =	swait.ge [sflag:s23], $0x1  }
0xa4: {  	[sflag:s23] =	ssyncset.done $0x0  }
0xa5: {  	s25 =	simm.s32 $0x1B8E;
	s24 =	sld [smem:$0x3FFE];
	[sflag:s23] =	ssyncadd.s32 $0xFFFFFFFF  }
0xa6: {  	s26 =	simm.s32 $execute0_lowered;
	[smem:$0x3FD2] =	sst s25  }
0xa7: {  	s6 =	sshll.u32 s26, $0x1;
	_ =	strace $0x80000046;
	[dreg:$0x1] =	wrdreg $0xFFFFFFFF  }
0xa8: {  	s28 =	simm.s32 $_size_execute0_lowered;
	s4 =	sadd.s32 s4, s6;
	[dreg:$0x0] =	wrdreg $0x0  }
0xa9: {  	s6 =	sshll.u32 s28, $0x1;
	[dreg:$0x2] =	wrdreg s4  }
0xaa: {  	[dreg:$0x3] =	wrdreg s6  }
0xab: {  	[dreg:$0x4] =	wrdreg $0xC0  }
0xac: {  	_ =	task [dreg:s8], $0x5FFFF  }
0xad: {  	[dreg:$0x1] =	wrdreg $0xFFFFFFFF  }
0xae: {  	[dreg:$0x0] =	wrdreg $0x60  }
0xaf: {  	[dreg:$0x2] =	wrdreg s2  }
0xb0: {  	[dreg:$0x3] =	wrdreg s24  }
0xb1: {  	[dreg:$0x4] =	wrdreg s18  }
0xb2: {  	[dreg:$0x5] =	wrdreg $0x9  }
0xb3: {  	_ =	task.clear_ibuf [dreg:s8], $0x6FFFF;
	_ =	strace $0x90000046  }
0xb4: {  	s29 =	simm.s32 $0x9;
	_ =	strace $0x80000048  }
0xb5: {  	_ =	swait.ge [sflag:s29], $0x1  }
0xb6: {  	[sflag:s29] =	ssyncadd.s32 $0xFFFFFFFF  }
0xb7: {  	_ =	strace $0x90000048  }
0xb8: {  	_ =	sfence  }
0xb9: {  	s30 =	sld [smem:$0x0];
	_ =	sdelay $0x2  }
0xba: {  	s31 =	sshll.u32 s1, $0xD;
	s1 =	sshrl.u32 s1, $0x2  }
0xbb: {  	s3 =	sand.u32 $0x4000, s31;
	s1 =	sadd.s32 s1, s30  }
0xbc: {  	s0 =	sor.u32 s3, s0;
	s1 =	sshll.u32 s1, $0x11  }
0xbd: {  	s0 =	sor.u32 s1, s0  }
0xbe: {  	s0 =	sadd.s32 $0x8F2B, s0  }
0xbf: {  	[sflag:s0] =	ssyncadd.remote.s32 $0x1  }
0xc0: {  	_ =	sfence.sel $0xFFFF  }
0xc1: {  	[dreg:$0x0] =	wrdreg $0xFFFFFFFF;
	(pc) =	sbr.abs _section_cstart, $3  }
0xc2: {  	[dreg:$0x1] =	wrdreg $0xFFFFFFFF  }
0xc3: {  	_ =	task.clear_ibuf [dreg:s8], $0x2FFFF;
	_ =	strace $0x9FFFFFFF  }
0xc4: {  	(tm) =	ssettm $0x7FFFFFFF  }
0xc5: {  	_ =	shalt  }
tec
execute0_lowered:
.L_overlay_start_1:
0x0: {  	(tag) =	ssettag $0x1  }
0x1: {  	s4 =	rddreg [dreg:$0x0]  }
0x2: {  	s3 =	rddreg [dreg:$0x1]  }
0x3: {  	s5 =	rddreg [dreg:$0x2]  }
0x4: {  	s0 =	rddreg [dreg:$0x3]  }
0x5: {  	s2 =	simm.s32 $0x0;
	s6 =	srdreg.scid;
	s1 =	stileid.u32  }
0x6: {  	s10 =	simm.s32 $0x0;
	[smem:$0x7FF] =	sst s2;
	s6 =	sand.u32 $0x1, s6  }
0x7: {  	s7 =	sshll.u32 s1, $0x1;
	s3 =	sadd.s32 $0x800, s3;
	s8 =	ssub.s32 $0x2, s6  }
0x8: {  	_ =	strace $0x80000047;
	s6 =	sor.u32 s6, s7;
	s31 =	sshrl.u32 s8, $0x1  }
0x9: {  	s9 =	sshll.u32 s6, $0x6;
	s6 =	sshll.u32 s6, $0x7;
	s7 =	ssub.s32 s8, s31  }
0xa: {  	v0 =	vlaneseq.u32;
	s4 =	sadd.s32 s4, s9;
	s5 =	sadd.s32 s5, s6;
	s8 =	simm.s32 $0x1  }
0xb: {  	v1 =	vor.u32 $0xFFFFFF78, v0;
	v2 =	vor.u32 $0x80, v0;
	s9 =	simm.s32 $0x400;
	s6 =	smax.u32 s7, $0x1;
	s7 =	simm.s32 $0x2  }
.LBB2_1:
0xc: {  	[tilespmem:s2], [sflag:$0x2] =	stream.linear.gather [hbm4b:s4+s2], $0x200, $0x38;
	[tilespmem:$0x800] =	vst v63  }
0xd: {  	_ =	swait.ge [sflag:s7], $0x200  }
0xe: {  	[sflag:s7] =	ssyncset.done $0x0  }
0xf: {  	s11 =	simm.s32 $0x200;
	[sflag:s7] =	ssyncadd.s32 $0xFFFFFE00  }
0x10: {  	[tilespmem:s11], [sflag:$0x1] =	stream.indirect.gather [hbm4b:s3+s11], $0x1, s2, s11, $0xb8;
	[tilespmem:$0x800] =	vst v63  }
0x11: {  	_ =	swait.ge [sflag:s8], $0x200  }
0x12: {  	[sflag:s8] =	ssyncset.done $0x0  }
0x13: {  	[sflag:s8] =	ssyncadd.s32 $0xFFFFFE00  }
0x14: {  	v3 =	vld [tilespmem:s11+$0x0];
	_ =	sdelay $0x4  }
0x15: {  	v3 =	vsub.f32 $0.0e+00, v3;
	_ =	sdelay $0x1  }
0x16: {  	v3 =	vmul.f32 $1.442695020e+00, v3;
	_ =	sdelay $0x1  }
0x17: {  	(erf) = vpow2.f32 v3;
	_ =	sdelay $0x8  }
0x18: {  	v3 =	vpop (erf)  }
0x19: {  	v3 =	vadd.f32 $1.000000000e+00, v3;
	_ =	sdelay $0x1  }
0x1a: {  	(erf) = vrcp.f32 v3;
	_ =	sdelay $0x1  }
0x1b: {  	s12 =	sand.u32 $0x300, s2;
	s13 =	sand.u32 $0x70, s2  }
0x1c: {  	s13 =	sor.u32 s13, s12  }
0x1d: {  	v3 =	vor.u32 s13, v0  }
0x1e: {  	v5 =	vand.u32 v1, v3;
	_ =	sdelay $0x1  }
0x1f: {  	v3 =	vor.u32 s13, v2;
	_ =	sdelay $0x1  }
0x20: {  	v6 =	vpop (erf)  }
0x21: {  	s12 =	simm.s32 $0x10;
	s13 =	simm.s32 $0x0;
	v4 =	vsub.f32 $1.000000000e+00, v6;
	[tilespmem:v5+s9+$0x0] =	vst.idx.msk $0xffff, v6  }
.LBB2_2:
0x22: {  	_ = 	snop  }
0x23: {  	p0 =	sne.s32 s12, $0x1F0;
	s11 =	sadd.s32 $0x10, s11;
	s13 =	sadd.s32 $0x20, s13;
	[tilespmem:v3+s9+$0x0] =	vst.idx.msk $0xffff, v4  }
0x24: {  	s14 =	smov.u32 s12;
	s12 =	sadd.s32 $0x10, s12;
	v3 =	vld [tilespmem:s11+$0x0];
	_ =	sdelay $0x4  }
0x25: {  	v3 =	vsub.f32 $0.0e+00, v3;
	_ =	sdelay $0x1  }
0x26: {  	v3 =	vmul.f32 $1.442695020e+00, v3;
	_ =	sdelay $0x1  }
0x27: {  	(erf) = vpow2.f32 v3;
	_ =	sdelay $0x8  }
0x28: {  	v3 =	vpop (erf)  }
0x29: {  	v3 =	vadd.f32 $1.000000000e+00, v3;
	_ =	sdelay $0x1  }
0x2a: {  	(erf) = vrcp.f32 v3;
	_ =	sdelay $0x1  }
0x2b: {  	s15 =	sand.u32 $0x300, s13;
	s14 =	sand.u32 $0x70, s14  }
0x2c: {  	s14 =	sor.u32 s14, s15  }
0x2d: {  	v3 =	vor.u32 s14, v0  }
0x2e: {  	v5 =	vand.u32 v1, v3  }
.Ltmp0:
0x2f: {  	(pc) =	sbr.rel @p0 .LBB2_2-.Ltmp0, $3  }
0x30: {  	v3 =	vor.u32 s14, v2;
	_ =	sdelay $0x1  }
0x31: {  	v6 =	vpop (erf)  }
0x32: {  	v4 =	vsub.f32 $1.000000000e+00, v6;
	[tilespmem:v5+s9+$0x0] =	vst.idx.msk $0xffff, v6  }
0x33: {  	_ =	sdelay $0x1  }
0x34: {  	s10 =	sadd.s32 $0x1, s10  }
0x35: {  	p0 =	sne.s32 s10, s6  }
.Ltmp1:
0x36: {  	[tilespmem:v3+s9+$0x0] =	vst.idx.msk $0xffff, v4;
	(pc) =	sbr.rel @p0 .LBB2_1-.Ltmp1, $4  }
0x37: {  	[hbm4b:s5+s2] =	stream.linear.scatter [tilespmem:s9], [sflag:$0x2], $0x400, $0x38;
	[tilespmem:$0x800] =	vst v63  }
0x38: {  	_ =	swait.ge [sflag:s7], $0x400  }
0x39: {  	[sflag:s7] =	ssyncset.done $0x0  }
0x3a: {  	[sflag:s7] =	ssyncadd.s32 $0xFFFFFC00  }
0x3b: {  	_ =	sfence.sel $0x180000  }
0x3c: {  	[bflag:$0x0] =	sbarrier.arrive $0xFFFF  }
0x3d: {  	p0 =	sne.s32 s1, $0x0;
	_ =	strace $0x90000047  }
0x3e: {  	s0 =	sadd.s32 @!p0 $0x100000, s0;
	[bflag:$0x2] =	sbarrier.arrive $0xFFFF  }
0x3f: {  	[sflag:s0] =	ssyncadd.tile.s32 @!p0 $0x1;
	_ =	shalt  }
.Lfunc_end2:
_tile_overlayer_lowered:
.L_overlay_start_2:
0x40: {  	(tag) =	ssettag $0x2  }
0x41: {  	s0 =	rddreg [dreg:$0x0];
	s2 =	stileid.u32  }
0x42: {  	s1 =	rddreg [dreg:$0x1];
	p0 =	sne.s32 s2, $0x0  }
0x43: {  	s3 =	rddreg [dreg:$0x2];
	[bflag:$0x3] =	sbarrier.arrive $0xFFFF;
	s2 =	simm.s32 @!p0 $0x1C02  }
0x44: {  	[timem:s3], [sflag:s2] =	dma.local @!p0 [hbm:s0], s1  }
0x45: {  	s0 =	simm.s32 @!p0 $0x2  }
0x46: {  	_ =	swait.ge @!p0 [sflag:s0], s1  }
0x47: {  	s1 =	ssub.s32 @!p0 $0x0, s1;
	[sflag:s0] =	ssyncset.done @!p0 $0x0  }
0x48: {  	[sflag:s0] =	ssyncadd.s32 @!p0 s1  }
0x49: {  	[bflag:$0x3] =	sbarrier.arrive $0xFFFF  }
0x4a: {  	_ =	shalt  }

</sc_bundles>
